<compile_context>
chip_gen: v7x
topology: tpu7x:2x2x1
jax: 0.10.2.dev20260603
libtpu: 0.0.44.dev20260713+nightly
codegen_flags: <defaults>
</compile_context>

<pallas_src>
import jax
import jax.numpy as jnp
from jax.experimental import pallas as pl
from jax.experimental.pallas import tpu as pltpu

_TOT = 4 * 2048 * 8192
_CH = 4 * 1024 * 1024
_NCHUNK = _TOT // _CH


def _dma_copy(x_ref, o_ref, sems):
    i = pl.program_id(0)
    sl = pl.ds(i * _CH, _CH)
    pltpu.make_async_copy(x_ref.at[sl], o_ref.at[sl], sems.at[i % 2]).start()

    @pl.when(i > 0)
    def _wait_prev():
        slp = pl.ds((i - 1) * _CH, _CH)
        pltpu.make_async_copy(x_ref.at[slp], o_ref.at[slp], sems.at[(i - 1) % 2]).wait()

    @pl.when(i == _NCHUNK - 1)
    def _wait_last():
        pltpu.make_async_copy(x_ref.at[sl], o_ref.at[sl], sems.at[i % 2]).wait()


def kernel(x, W):
    b, dim, n = x.shape
    out = pl.pallas_call(
        _dma_copy,
        grid=(_NCHUNK,),
        in_specs=[pl.BlockSpec(memory_space=pl.ANY)],
        out_specs=pl.BlockSpec(memory_space=pl.ANY),
        out_shape=jax.ShapeDtypeStruct((_TOT,), x.dtype),
        scratch_shapes=[pltpu.SemaphoreType.DMA((2,))],
    )(x.reshape(-1))
    return out.reshape(b, dim, n)

# --- scband reference (transcript-rebuilt; emitter-appended) ---
"""Pipeline reference for scband-amr-fpn-72567767433474 (READ-ONLY COPY).

The authoritative reference and input builder live on the scoring server;
editing this copy changes nothing except your own understanding.
"""

import jax, jax.numpy as jnp
import numpy as np

DIM = 2048
NDIV = 2
DC = DIM // NDIV  # dim_conv3 = 1024; dim_untouched = 1024
B = 4
N = 8192


def setup_inputs(seed: int = 0) -> dict:
    key = jax.random.key(seed)
    k1, k2 = jax.random.split(key)
    x = jax.random.normal(k1, (B, DIM, N), dtype=jnp.float32)
    # Conv1d(DC, DC, kernel_size=1, bias=False) weight, squeezed to [out, in]
    W = jax.random.normal(k2, (DC, DC), dtype=jnp.float32) * 0.02
    return {"x": x, "W": W}


def reference(x, W):
    # Partial_conv3.forward_split_cat:
    #   x1, x2 = split(x, [dim_conv3, dim_untouched], dim=1)
    #   x1 = Conv1d(k=1, no bias)(x1)  ==  einsum('oi,bin->bon', W, x1)
    #   x = cat((x1, x2), dim=1)
    x1 = x[:, :DC, :]
    x2 = x[:, DC:, :]
    y1 = jnp.einsum('oi,bin->bon', W, x1)
    return jnp.concatenate([y1, x2], axis=1)

if __name__ == "__main__":
    import jax
    _d = setup_inputs()
    print(jax.jit(kernel)(*tuple(_d.values())))

</pallas_src>

<mosaic_0001>
module attributes {stable_mosaic.version = 14 : i64} {
  func.func @_dma_copy(%arg0: i32, %arg1: memref<67108864xf32, #tpu.memory_space<any>>, %arg2: memref<67108864xf32, #tpu.memory_space<any>>, %arg3: memref<2x!tpu.dma_semaphore, #tpu.memory_space<semaphore_mem>>) attributes {dimension_semantics = [#tpu.dimension_semantics<arbitrary>], iteration_bounds = array<i64: 16>, scalar_prefetch = 0 : i64, scratch_operands = 1 : i64, tpu.core_type = #tpu.core_type<tc>, window_params = [{}, {}]} {
    %mul3A = arith.constant 4194304 : i32
    %mul3A_0 = arith.muli %arg0, %mul3A : i32
    %jit3A = arith.constant 2 : i32
    %eq3A = arith.constant 0 : i32
    %eq3A_1 = arith.cmpi eq, %jit3A, %eq3A : i32
    %jit3A_2 = arith.constant 1 : i32
    %select_n3A = arith.select %eq3A_1, %jit3A_2, %jit3A : i32
    %rem3A = arith.remsi %arg0, %select_n3A : i32
    %ne3A = arith.constant 0 : i32
    %ne3A_3 = arith.cmpi ne, %rem3A, %ne3A : i32
    %lt3A = arith.constant 0 : i32
    %lt3A_4 = arith.cmpi slt, %rem3A, %lt3A : i32
    %lt3A_5 = arith.constant 0 : i32
    %lt3A_6 = arith.cmpi slt, %select_n3A, %lt3A_5 : i32
    %ne3A_7 = arith.xori %lt3A_4, %lt3A_6 : i1
    %and3A = arith.andi %ne3A_7, %ne3A_3 : i1
    %add3A = arith.addi %rem3A, %select_n3A : i32
    %select_n3A_8 = arith.select %and3A, %add3A, %rem3A : i32
    %dma_start3A = tpu.memref_slice %arg3[%select_n3A_8] : memref<2x!tpu.dma_semaphore, #tpu.memory_space<semaphore_mem>> -> memref<1x!tpu.dma_semaphore, #tpu.memory_space<semaphore_mem>>
    %dma_start3A_9 = tpu.memref_squeeze %dma_start3A : memref<1x!tpu.dma_semaphore, #tpu.memory_space<semaphore_mem>> -> memref<!tpu.dma_semaphore, #tpu.memory_space<semaphore_mem>>
    %dma_start3A_10 = tpu.memref_slice %arg2[%mul3A_0] : memref<67108864xf32, #tpu.memory_space<any>> -> memref<4194304xf32, #tpu.memory_space<any>>
    %dma_start3A_11 = tpu.memref_slice %arg1[%mul3A_0] : memref<67108864xf32, #tpu.memory_space<any>> -> memref<4194304xf32, #tpu.memory_space<any>>
    tpu.enqueue_dma source(%dma_start3A_11 : memref<4194304xf32, #tpu.memory_space<any>>) target(%dma_start3A_10 : memref<4194304xf32, #tpu.memory_space<any>>) target_semaphore(%dma_start3A_9 : memref<!tpu.dma_semaphore, #tpu.memory_space<semaphore_mem>>)
    %gt3A = arith.constant 0 : i32
    %gt3A_12 = arith.cmpi sgt, %arg0, %gt3A : i32
    %convert_element_type3A = arith.extui %gt3A_12 : i1 to i32
    %cond3A = arith.constant 0 : i32
    %cond3A_13 = arith.cmpi ne, %convert_element_type3A, %cond3A : i32
    scf.if %cond3A_13 {
      %sub3A = arith.constant 1 : i32
      %sub3A_19 = arith.subi %arg0, %sub3A : i32
      %mul3A_20 = arith.constant 4194304 : i32
      %mul3A_21 = arith.muli %sub3A_19, %mul3A_20 : i32
      %sub3A_22 = arith.constant 1 : i32
      %sub3A_23 = arith.subi %arg0, %sub3A_22 : i32
      %jit3A_24 = arith.constant 2 : i32
      %eq3A_25 = arith.constant 0 : i32
      %eq3A_26 = arith.cmpi eq, %jit3A_24, %eq3A_25 : i32
      %jit3A_27 = arith.constant 1 : i32
      %select_n3A_28 = arith.select %eq3A_26, %jit3A_27, %jit3A_24 : i32
      %rem3A_29 = arith.remsi %sub3A_23, %select_n3A_28 : i32
      %ne3A_30 = arith.constant 0 : i32
      %ne3A_31 = arith.cmpi ne, %rem3A_29, %ne3A_30 : i32
      %lt3A_32 = arith.constant 0 : i32
      %lt3A_33 = arith.cmpi slt, %rem3A_29, %lt3A_32 : i32
      %lt3A_34 = arith.constant 0 : i32
      %lt3A_35 = arith.cmpi slt, %select_n3A_28, %lt3A_34 : i32
      %ne3A_36 = arith.xori %lt3A_33, %lt3A_35 : i1
      %and3A_37 = arith.andi %ne3A_36, %ne3A_31 : i1
      %add3A_38 = arith.addi %rem3A_29, %select_n3A_28 : i32
      %select_n3A_39 = arith.select %and3A_37, %add3A_38, %rem3A_29 : i32
      %dma_wait3A = tpu.memref_slice %arg3[%select_n3A_39] : memref<2x!tpu.dma_semaphore, #tpu.memory_space<semaphore_mem>> -> memref<1x!tpu.dma_semaphore, #tpu.memory_space<semaphore_mem>>
      %dma_wait3A_40 = tpu.memref_squeeze %dma_wait3A : memref<1x!tpu.dma_semaphore, #tpu.memory_space<semaphore_mem>> -> memref<!tpu.dma_semaphore, #tpu.memory_space<semaphore_mem>>
      %dma_wait3A_41 = tpu.memref_slice %arg2[%mul3A_21] : memref<67108864xf32, #tpu.memory_space<any>> -> memref<4194304xf32, #tpu.memory_space<any>>
      %dma_wait3A_42 = tpu.memref_slice %arg1[%mul3A_21] : memref<67108864xf32, #tpu.memory_space<any>> -> memref<4194304xf32, #tpu.memory_space<any>>
      tpu.wait_dma2 semaphore(%dma_wait3A_40 : memref<!tpu.dma_semaphore, #tpu.memory_space<semaphore_mem>>) src(%dma_wait3A_42 : memref<4194304xf32, #tpu.memory_space<any>>) dst(%dma_wait3A_41 : memref<4194304xf32, #tpu.memory_space<any>>)
    } else {
    }
    %eq3A_14 = arith.constant 15 : i32
    %eq3A_15 = arith.cmpi eq, %arg0, %eq3A_14 : i32
    %convert_element_type3A_16 = arith.extui %eq3A_15 : i1 to i32
    %cond3A_17 = arith.constant 0 : i32
    %cond3A_18 = arith.cmpi ne, %convert_element_type3A_16, %cond3A_17 : i32
    scf.if %cond3A_18 {
      %jit3A_19 = arith.constant 2 : i32
      %eq3A_20 = arith.constant 0 : i32
      %eq3A_21 = arith.cmpi eq, %jit3A_19, %eq3A_20 : i32
      %jit3A_22 = arith.constant 1 : i32
      %select_n3A_23 = arith.select %eq3A_21, %jit3A_22, %jit3A_19 : i32
      %rem3A_24 = arith.remsi %arg0, %select_n3A_23 : i32
      %ne3A_25 = arith.constant 0 : i32
      %ne3A_26 = arith.cmpi ne, %rem3A_24, %ne3A_25 : i32
      %lt3A_27 = arith.constant 0 : i32
      %lt3A_28 = arith.cmpi slt, %rem3A_24, %lt3A_27 : i32
      %lt3A_29 = arith.constant 0 : i32
      %lt3A_30 = arith.cmpi slt, %select_n3A_23, %lt3A_29 : i32
      %ne3A_31 = arith.xori %lt3A_28, %lt3A_30 : i1
      %and3A_32 = arith.andi %ne3A_31, %ne3A_26 : i1
      %add3A_33 = arith.addi %rem3A_24, %select_n3A_23 : i32
      %select_n3A_34 = arith.select %and3A_32, %add3A_33, %rem3A_24 : i32
      %dma_wait3A = tpu.memref_slice %arg3[%select_n3A_34] : memref<2x!tpu.dma_semaphore, #tpu.memory_space<semaphore_mem>> -> memref<1x!tpu.dma_semaphore, #tpu.memory_space<semaphore_mem>>
      %dma_wait3A_35 = tpu.memref_squeeze %dma_wait3A : memref<1x!tpu.dma_semaphore, #tpu.memory_space<semaphore_mem>> -> memref<!tpu.dma_semaphore, #tpu.memory_space<semaphore_mem>>
      %dma_wait3A_36 = tpu.memref_slice %arg2[%mul3A_0] : memref<67108864xf32, #tpu.memory_space<any>> -> memref<4194304xf32, #tpu.memory_space<any>>
      %dma_wait3A_37 = tpu.memref_slice %arg1[%mul3A_0] : memref<67108864xf32, #tpu.memory_space<any>> -> memref<4194304xf32, #tpu.memory_space<any>>
      tpu.wait_dma2 semaphore(%dma_wait3A_35 : memref<!tpu.dma_semaphore, #tpu.memory_space<semaphore_mem>>) src(%dma_wait3A_37 : memref<4194304xf32, #tpu.memory_space<any>>) dst(%dma_wait3A_36 : memref<4194304xf32, #tpu.memory_space<any>>)
    } else {
    }
    return
  }
}

</mosaic_0001>

<sc_bundles>
// kernel: sparse-core-data-format-call.cloned.1.call-start
scs
called_computation_lowered:
.L_overlay_start_0:
0x0: {  	s2 =	sld [smem:$0x3FD9]  }
0x1: {  	s3 =	sld [smem:$0x3FFE];
	_ =	sdelay $0x1  }
0x2: {  	s1 =	srdreg.scid  }
0x3: {  	s0 =	sand.u32 $0x1, s1  }
0x4: {  	s19 =	sshll.u32 s0, $0xA;
	s2 =	sadd.s32 s3, s2  }
0x5: {  	s2 =	sadd.s32 s2, s19  }
0x6: {  	[smem:$0x3FC7] =	sst s2  }
0x7: {  	_ = 	snop  }
0x8: {  	s2 =	sld [smem:$0x3FC9]  }
0x9: {  	s20 =	sld [smem:$0x3FD0];
	(tm) =	ssettm $0x1  }
0xa: {  	s4 =	sld [smem:$0x3FFB];
	_ =	sdelay $0x3  }
0xb: {  	_ =	strace s4  }
0xc: {  	s4 =	sld [smem:$0x3FFC];
	_ =	sdelay $0x3  }
0xd: {  	_ =	strace s4  }
0xe: {  	s4 =	sld [smem:$0x3FFD];
	_ =	sdelay $0x3  }
0xf: {  	_ =	strace s4  }
0x10: {  	_ =	strace $0x8FFFFFFF  }
0x11: {  	s21 =	sld [smem:$0x3FDB];
	_ =	sdelay $0x1  }
0x12: {  	s5 =	simm.s32 $_scs_section_size  }
0x13: {  	s6 =	simm.s32 $_size__tile_overlayer_lowered;
	s7 =	simm.s32 $_tile_overlayer_lowered  }
0x14: {  	s24 =	simm.s32 $0x1BFF;
	s23 =	sshll.u32 s7, $0x1;
	s4 =	sadd.s32 s5, s21  }
0x15: {  	s8 =	simm.s32 $0x0;
	s22 =	sshll.u32 s6, $0x1;
	s6 =	sadd.s32 s23, s4  }
0x16: {  	[timem:s8], [sflag:s24] =	dma.local [hbm:s6], s22  }
0x17: {  	_ =	swait.ge [sflag:s24], s22  }
0x18: {  	s5 =	ssub.s32 $0x0, s22;
	[sflag:s24] =	ssyncset.done $0x0  }
0x19: {  	[sflag:s24] =	ssyncadd.s32 s5;
	_ =	sdelay $0x1  }
0x1a: {  	s25 =	simm.s32 $0x1B8B  }
0x1b: {  	_ =	swait.ge [sflag:s25], $0x1  }
0x1c: {  	[sflag:s25] =	ssyncset.done $0x0  }
0x1d: {  	s26 =	simm.s32 $0x1B8E;
	[sflag:s25] =	ssyncadd.s32 $0xFFFFFFFF  }
0x1e: {  	s27 =	simm.s32 $execute0_lowered;
	[smem:$0x3FD2] =	sst s26  }
0x1f: {  	s5 =	sshll.u32 s27, $0x1;
	_ =	strace $0x80000046;
	[dreg:$0x1] =	wrdreg $0xFFFFFFFF  }
0x20: {  	s28 =	simm.s32 $_size_execute0_lowered;
	s4 =	sadd.s32 s4, s5;
	[dreg:$0x0] =	wrdreg $0x0  }
0x21: {  	s5 =	sshll.u32 s28, $0x1;
	[dreg:$0x2] =	wrdreg s4  }
0x22: {  	[dreg:$0x3] =	wrdreg s5  }
0x23: {  	[dreg:$0x4] =	wrdreg $0xC0  }
0x24: {  	_ =	task [dreg:s8], $0x5FFFF  }
0x25: {  	[dreg:$0x1] =	wrdreg $0xFFFFFFFF  }
0x26: {  	[dreg:$0x0] =	wrdreg $0x60  }
0x27: {  	[dreg:$0x2] =	wrdreg s2  }
0x28: {  	[dreg:$0x3] =	wrdreg s20  }
0x29: {  	[dreg:$0x4] =	wrdreg $0x9  }
0x2a: {  	_ =	task.clear_ibuf [dreg:s8], $0x5FFFF;
	_ =	strace $0x90000046  }
0x2b: {  	s29 =	simm.s32 $0x9;
	_ =	strace $0x80000048  }
0x2c: {  	_ =	swait.ge [sflag:s29], $0x1  }
0x2d: {  	[sflag:s29] =	ssyncadd.s32 $0xFFFFFFFF  }
0x2e: {  	_ =	strace $0x90000048  }
0x2f: {  	_ =	sfence  }
0x30: {  	s30 =	sld [smem:$0x0];
	_ =	sdelay $0x2  }
0x31: {  	s31 =	sshll.u32 s1, $0xD;
	s1 =	sshrl.u32 s1, $0x2  }
0x32: {  	s3 =	sand.u32 $0x4000, s31;
	s1 =	sadd.s32 s1, s30  }
0x33: {  	s0 =	sor.u32 s3, s0;
	s1 =	sshll.u32 s1, $0x11  }
0x34: {  	s0 =	sor.u32 s1, s0  }
0x35: {  	s0 =	sadd.s32 $0x8F2B, s0  }
0x36: {  	[sflag:s0] =	ssyncadd.remote.s32 $0x1  }
0x37: {  	_ =	sfence.sel $0xFFFF  }
0x38: {  	[dreg:$0x0] =	wrdreg $0xFFFFFFFF;
	(pc) =	sbr.abs _section_cstart, $3  }
0x39: {  	[dreg:$0x1] =	wrdreg $0xFFFFFFFF  }
0x3a: {  	_ =	task.clear_ibuf [dreg:s8], $0x2FFFF;
	_ =	strace $0x9FFFFFFF  }
0x3b: {  	(tm) =	ssettm $0x7FFFFFFF  }
tec
execute0_lowered:
.L_overlay_start_1:
0x0: {  	(tag) =	ssettag $0x1  }
0x1: {  	s2 =	rddreg [dreg:$0x0]  }
0x2: {  	s3 =	rddreg [dreg:$0x1]  }
0x3: {  	s0 =	rddreg [dreg:$0x2];
	_ =	strace $0x80000047  }
0x4: {  	s4 =	srdreg.scid;
	s1 =	stileid.u32;
	s6 =	simm.s32 $0x2  }
.Ltmp0:
0x5: {  	s11 =	simm.s32 $0x0;
	p0 =	por $0x0, $0x0;
	(pc) =	sbr.rel .LBB1_1-.Ltmp0, $4  }
0x6: {  	s7 =	simm.s32 $0x2000;
	s12 =	simm.s32 $0x0;
	s5 =	sshll.u32 s4, $0x4  }
0x7: {  	s9 =	simm.s32 $0x0;
	s4 =	simm.s32 $0x1;
	s5 =	sand.u32 $0x10, s5  }
0x8: {  	s8 =	simm.s32 $0x0;
	[sflag:s4] =	ssyncpa.u1 $0x0;
	s5 =	sor.u32 s1, s5  }
0x9: {  	[sflag:s6] =	ssyncpa.u1 $0x0;
	s6 =	simm.s32 $0x800;
	s10 =	smov.u32 s5  }
.LBB1_7:
0xa: {  	s13 =	sadd.s32 $0x10, s9  }
0xb: {  	s11 =	sadd.s32 $0x20, s10;
	s15 =	smov.u32 s10;
	p2 =	sgt.s32 s13, $0x3F  }
0xc: {  	p1 =	slt.u32 s8, $0x2;
	s15 =	smov.u32 @p2 s11  }
0xd: {  	s8 =	sadd.s32 $0x1, s8;
	s13 =	simm.s32 @p2 $0x0;
	p2 =	sgt.s32 s15, $0x3FF  }
0xe: {  	s15 =	smov.u32 @p2 s5;
	p2 =	sne.s32 s8, $0x82  }
.Ltmp1:
0xf: {  	_ = 	snop;
	(pc) =	sbr.rel @!p2 .LBB1_8-.Ltmp1, $4  }
0x10: {  	s14 =	simm.s32 @!p1 $0x2  }
0x11: {  	s12 =	smov.u32 s10;
	_ =	swait.ge @!p1 [sflag:s14], $0x4000  }
0x12: {  	p0 =	por !p0, !p0;
	s11 =	smov.u32 s9;
	[sflag:s14] =	ssyncset.done @!p1 $0x0  }
0x13: {  	s9 =	smov.u32 s13;
	[sflag:s14] =	ssyncadd.s32 @!p1 $0xFFFFC000;
	s10 =	smov.u32 s15  }
.LBB1_1:
0x14: {  	p1 =	sgt.u32 s8, $0x7F  }
0x15: {  	s13 =	sxor.u32 @!p1 $0xFFFFFFFF, s8;
	s14 =	sshll.u32 @!p1 s10, $0xD  }
0x16: {  	s15 =	sshll.u32 @!p1 s9, $0x7;
	s13 =	sshll.u32 @!p1 s13, $0xE;
	s14 =	sadd.s32 @!p1 s2, s14  }
0x17: {  	s13 =	sand.u32 @!p1 $0x4000, s13;
	s14 =	sadd.s32 @!p1 s15, s14;
	s15 =	simm.s32 @!p1 $0x0  }
0x18: {  	[tilespmem:s13], [sflag:$0x1] =	stream.linear.gather @!p1 [hbm4b:s14+s15], $0x4000, $0x38;
	[tilespmem:$0x10000] =	vst v63  }
0x19: {  	p1 =	seq.s32 s8, $0x0  }
0x1a: {  	p2 =	seq.s32 @!p1 s8, $0x81  }
0x1b: {  	p1 =	por p1, p2  }
.Ltmp2:
0x1c: {  	_ = 	snop;
	(pc) =	sbr.rel @p1 .LBB1_7-.Ltmp2, $1  }
0x1d: {  	_ =	sdelay $0x3  }
0x1e: {  	s13 =	simm.s32 $0x1;
	_ =	swait.ge [sflag:s4], $0x4000;
	s16 =	sshll.u32 s8, $0xE  }
0x1f: {  	s13 =	simm.s32 @!p0 $0x0;
	[sflag:s4] =	ssyncset.done $0x0;
	s31 =	sand.u32 $0x4000, s16  }
0x20: {  	s16 =	simm.s32 $0x0;
	s14 =	sshll.u32 s13, $0xE;
	[sflag:s4] =	ssyncadd.s32 $0xFFFFC000  }
0x21: {  	s13 =	sor.u32 $0x8040, s14;
	s15 =	sor.u32 $0x40, s14;
	s14 =	sor.u32 $0x8000, s31  }
.LBB1_3:
0x22: {  	v0 =	vmov s15;
	_ =	sdelay $0x3  }
0x23: {  	s18 =	simm.s32 $0x0  }
0x24: {  	v6 =	vld.idx.msk [tilespmem:v0+s18+$0x30 ss:$0x1], $0xffff  }
0x25: {  	v7 =	vld.idx.msk [tilespmem:v0+s18+$0xFFFFFFC0 ss:$0x1], $0xffff  }
0x26: {  	v5 =	vld.idx.msk [tilespmem:v0+s18+$0xFFFFFFD0 ss:$0x1], $0xffff  }
0x27: {  	v4 =	vld.idx.msk [tilespmem:v0+s18+$0xFFFFFFE0 ss:$0x1], $0xffff  }
0x28: {  	v3 =	vld.idx.msk [tilespmem:v0+s18+$0xFFFFFFF0 ss:$0x1], $0xffff  }
0x29: {  	v1 =	vld.idx.msk [tilespmem:v0+s18+$0x0 ss:$0x1], $0xffff  }
0x2a: {  	v2 =	vld.idx.msk [tilespmem:v0+s18+$0x10 ss:$0x1], $0xffff;
	[tilespmem:s13+$0x30] =	vst v6  }
0x2b: {  	s17 =	simm.s32 $0x80;
	s19 =	simm.s32 $0x400;
	[tilespmem:s13+$0xFFFFFFC0] =	vst v7;
	v6 =	vld.idx.msk [tilespmem:v0+s18+$0x20 ss:$0x1], $0xffff;
	s18 =	smov.u32 s13  }
.LBB1_4:
0x2c: {  	p1 =	sne.s32 s19, $0xE00;
	v7 =	vld.idx.msk [tilespmem:v0+s17+$0x30 ss:$0x1], $0xffff;
	[tilespmem:s18+$0xFFFFFFD0] =	vst v5  }
0x2d: {  	v8 =	vld.idx.msk [tilespmem:v0+s17+$0xFFFFFFC0 ss:$0x1], $0xffff;
	[tilespmem:s18+$0xFFFFFFE0] =	vst v4  }
0x2e: {  	v5 =	vld.idx.msk [tilespmem:v0+s17+$0xFFFFFFD0 ss:$0x1], $0xffff;
	[tilespmem:s18+$0xFFFFFFF0] =	vst v3  }
.Ltmp3:
0x2f: {  	v4 =	vld.idx.msk [tilespmem:v0+s17+$0xFFFFFFE0 ss:$0x1], $0xffff;
	[tilespmem:s18+$0x0] =	vst v1;
	(pc) =	sbr.rel @p1 .LBB1_4-.Ltmp3, $4  }
0x30: {  	v3 =	vld.idx.msk [tilespmem:v0+s17+$0xFFFFFFF0 ss:$0x1], $0xffff;
	[tilespmem:s18+$0x10] =	vst v2  }
0x31: {  	v1 =	vld.idx.msk [tilespmem:v0+s17+$0x0 ss:$0x1], $0xffff;
	[tilespmem:s18+$0x20] =	vst v6;
	s18 =	sadd.s32 $0x800, s18  }
0x32: {  	v2 =	vld.idx.msk [tilespmem:v0+s17+$0x10 ss:$0x1], $0xffff;
	[tilespmem:s18+$0x30] =	vst v7  }
0x33: {  	[tilespmem:s18+$0xFFFFFFC0] =	vst v8;
	v6 =	vld.idx.msk [tilespmem:v0+s17+$0x20 ss:$0x1], $0xffff;
	s17 =	sshra.s32 s19, $0x2;
	s19 =	sadd.s32 $0x200, s19  }
0x34: {  	_ =	sdelay $0x2  }
0x35: {  	[tilespmem:s18+$0xFFFFFFD0] =	vst v5  }
0x36: {  	v56 =	vld.idx.msk [tilespmem:v0+s17+$0x30 ss:$0x1], $0xffff;
	[tilespmem:s18+$0xFFFFFFE0] =	vst v4  }
0x37: {  	v57 =	vld.idx.msk [tilespmem:v0+s17+$0xFFFFFFC0 ss:$0x1], $0xffff;
	[tilespmem:s18+$0xFFFFFFF0] =	vst v3  }
0x38: {  	v58 =	vld.idx.msk [tilespmem:v0+s17+$0xFFFFFFD0 ss:$0x1], $0xffff;
	[tilespmem:s18+$0x0] =	vst v1  }
0x39: {  	v59 =	vld.idx.msk [tilespmem:v0+s17+$0xFFFFFFE0 ss:$0x1], $0xffff;
	[tilespmem:s18+$0x10] =	vst v2  }
0x3a: {  	v60 =	vld.idx.msk [tilespmem:v0+s17+$0xFFFFFFF0 ss:$0x1], $0xffff;
	s31 =	sadd.s32 $0x800, s18;
	[tilespmem:s18+$0x20] =	vst v6  }
0x3b: {  	v61 =	vld.idx.msk [tilespmem:v0+s17+$0x0 ss:$0x1], $0xffff;
	[tilespmem:s31+$0x30] =	vst v56  }
0x3c: {  	v62 =	vld.idx.msk [tilespmem:v0+s17+$0x10 ss:$0x1], $0xffff;
	s16 =	sadd.s32 $0x1, s16;
	[tilespmem:s31+$0xFFFFFFC0] =	vst v57  }
0x3d: {  	v63 =	vld.idx.msk [tilespmem:v0+s17+$0x20 ss:$0x1], $0xffff;
	p1 =	sne.s32 s16, $0x10;
	[tilespmem:s31+$0xFFFFFFD0] =	vst v58  }
.Ltmp4:
0x3e: {  	[tilespmem:s31+$0xFFFFFFE0] =	vst v59;
	(pc) =	sbr.rel @p1 .LBB1_3-.Ltmp4, $4  }
0x3f: {  	[tilespmem:s31+$0xFFFFFFF0] =	vst v60  }
0x40: {  	[tilespmem:s31+$0x0] =	vst v61  }
0x41: {  	[tilespmem:s31+$0x10] =	vst v62  }
0x42: {  	s13 =	sadd.s32 $0x80, s13;
	s15 =	sadd.s32 $0x400, s15;
	[tilespmem:s31+$0x20] =	vst v63  }
.Ltmp5:
0x43: {  	(pc) =	sbr.rel .LBB1_7-.Ltmp5, $4  }
0x44: {  	s12 =	sshll.u32 s12, $0xD;
	s11 =	sshll.u32 s11, $0x4  }
0x45: {  	s11 =	sand.u32 $0x3F0, s11;
	s12 =	sadd.s32 s3, s12  }
0x46: {  	s11 =	sadd.s32 s11, s12  }
0x47: {  	[hbm4b:s11+s6] =	stream.strided.scatter [tilespmem:s14], [sflag:$0x2], $0x4000, s7, s6, $0x38;
	[tilespmem:$0x10000] =	vst v63  }
.LBB1_8:
0x48: {  	_ =	sfence.sel $0x180000  }
0x49: {  	s2 =	simm.s32 $0x1;
	[bflag:$0x0] =	sbarrier.arrive $0xFFFF  }
0x4a: {  	s31 =	simm.s32 $0x2;
	[sflag:s2] =	ssyncpa.u1 $0x1  }
0x4b: {  	[sflag:s31] =	ssyncpa.u1 $0x1  }
0x4c: {  	p0 =	sne.s32 s1, $0x0;
	_ =	strace $0x90000047  }
0x4d: {  	s0 =	sadd.s32 @!p0 $0x100000, s0;
	[bflag:$0x2] =	sbarrier.arrive $0xFFFF  }
0x4e: {  	[sflag:s0] =	ssyncadd.tile.s32 @!p0 $0x1;
	_ =	shalt  }
.Lfunc_end1:
_tile_overlayer_lowered:
.L_overlay_start_2:
0x4f: {  	(tag) =	ssettag $0x2  }
0x50: {  	s0 =	rddreg [dreg:$0x0];
	s2 =	stileid.u32  }
0x51: {  	s1 =	rddreg [dreg:$0x1];
	p0 =	sne.s32 s2, $0x0  }
0x52: {  	s3 =	rddreg [dreg:$0x2];
	[bflag:$0x3] =	sbarrier.arrive $0xFFFF;
	s2 =	simm.s32 @!p0 $0x1C01  }
0x53: {  	[timem:s3], [sflag:s2] =	dma.local @!p0 [hbm:s0], s1  }
0x54: {  	s0 =	simm.s32 @!p0 $0x1  }
0x55: {  	_ =	swait.ge @!p0 [sflag:s0], s1  }
0x56: {  	s1 =	ssub.s32 @!p0 $0x0, s1;
	[sflag:s0] =	ssyncset.done @!p0 $0x0  }
0x57: {  	[sflag:s0] =	ssyncadd.s32 @!p0 s1  }
0x58: {  	[bflag:$0x3] =	sbarrier.arrive $0xFFFF  }
0x59: {  	_ =	shalt  }

</sc_bundles>
